<compile_context>
chip_gen: v7x
topology: tpu7x:2x2x1
jax: 0.10.2.dev20260603
libtpu: 0.0.44.dev20260713+nightly
codegen_flags: <defaults>
</compile_context>

<pallas_src>
import functools

import jax
import jax.numpy as jnp
from jax import lax
from jax.experimental import pallas as pl
from jax.experimental.pallas import tpu as pltpu
from jax.experimental.pallas import tpu_sc as plsc

_NC = 2
_NS = 16

_NBUF = 4
_SUB = 2048


def _mlp(emb, w1_ref, b1_ref, w2t_ref, b2_ref):
    h = jnp.dot(emb, w1_ref[...], preferred_element_type=jnp.float32)
    h = jnp.maximum(h + b1_ref[...], 0.0)
    ot = lax.dot_general(w2t_ref[...], h,
                         dimension_numbers=(((1,), (1,)), ((), ())),
                         preferred_element_type=jnp.float32)
    return ot + b2_ref[...]


def _mlp_body(t_hbm, w1_ref, b1_ref, w2t_ref, b2_ref, o0_ref, o1_ref,
              tbuf, tailbuf, sems, tailsem):
    v = t_hbm.shape[0]
    n_full = v // _SUB
    tail = v - n_full * _SUB
    tail0 = n_full * _SUB

    def dma(j, slot):
        return pltpu.make_async_copy(
            t_hbm.at[pl.ds(j * _SUB, _SUB), :], tbuf.at[slot], sems.at[slot])

    tail_dma = pltpu.make_async_copy(
        t_hbm.at[pl.ds(tail0, tail), :], tailbuf, tailsem)
    tail_dma.start()
    for j in range(_NBUF):
        dma(j, j).start()

    def step(j, carry):
        slot = lax.rem(j, _NBUF)
        dma(j, slot).wait()
        ot = _mlp(tbuf[slot], w1_ref, b1_ref, w2t_ref, b2_ref)
        o0_ref[pl.ds(j * _SUB, _SUB)] = ot[0:1, :].reshape(_SUB)
        o1_ref[pl.ds(j * _SUB, _SUB)] = ot[1:2, :].reshape(_SUB)

        @pl.when(j + _NBUF < n_full)
        def _():
            dma(j + _NBUF, slot).start()

        return carry

    lax.fori_loop(0, n_full, step, 0)
    tail_dma.wait()
    ot = _mlp(tailbuf[...], w1_ref, b1_ref, w2t_ref, b2_ref)
    o0_ref[pl.ds(tail0, tail)] = ot[0:1, :].reshape(tail)
    o1_ref[pl.ds(tail0, tail)] = ot[1:2, :].reshape(tail)


def _fuse_table(table, W1, b1, W2, b2):
    v, d = table.shape
    dh = W1.shape[1]
    do = W2.shape[1]
    out1d = jax.ShapeDtypeStruct((v,), jnp.float32)
    return pl.pallas_call(
        _mlp_body,
        in_specs=[
            pl.BlockSpec(memory_space=pl.ANY),
            pl.BlockSpec((d, dh), lambda: (0, 0)),
            pl.BlockSpec((1, dh), lambda: (0, 0)),
            pl.BlockSpec((do, dh), lambda: (0, 0)),
            pl.BlockSpec((do, 1), lambda: (0, 0)),
        ],
        out_specs=[
            pl.BlockSpec((v,), lambda: (0,)),
            pl.BlockSpec((v,), lambda: (0,)),
        ],
        out_shape=[out1d, out1d],
        scratch_shapes=[
            pltpu.VMEM((_NBUF, _SUB, d), jnp.float32),
            pltpu.VMEM((v - (v // _SUB) * _SUB, d), jnp.float32),
            pltpu.SemaphoreType.DMA((_NBUF,)),
            pltpu.SemaphoreType.DMA,
        ],
    )(table, W1, b1.reshape(1, dh), W2.T, b2.reshape(do, 1))


def _gather_rows(idx1d, f0, f1):
    n_idx = idx1d.shape[0]
    v = f0.shape[0]
    per_tile = n_idx // _NS
    lanes = 16
    mesh = plsc.VectorSubcoreMesh(core_axis_name="c", subcore_axis_name="s")
    out1d = jax.ShapeDtypeStruct((n_idx,), jnp.float32)

    @functools.partial(
        pl.kernel,
        out_type=[out1d, out1d],
        mesh=mesh,
        scratch_types=[
            pltpu.VMEM((v,), jnp.float32),
            pltpu.VMEM((per_tile,), jnp.int32),
            pltpu.VMEM((per_tile,), jnp.float32),
            pltpu.SemaphoreType.DMA,
            pltpu.SemaphoreType.DMA,
        ],
        compiler_params=pltpu.CompilerParams(use_tc_tiling_on_sc=False, needs_layout_passes=False),
    )
    def gather_kernel(idx_hbm, f0_hbm, f1_hbm, o0_hbm, o1_hbm,
                      ftab_v, idx_v, vals_v, sem_t, sem_i):
        col = lax.axis_index("c")
        tile = lax.axis_index("s")
        base = tile * per_tile

        d0 = pltpu.make_async_copy(f0_hbm, ftab_v, sem_t)
        d1 = pltpu.make_async_copy(f1_hbm, ftab_v, sem_t)
        di = pltpu.make_async_copy(
            idx_hbm.at[pl.ds(base, per_tile)], idx_v, sem_i)
        di.start()

        @pl.when(col == 0)
        def _():
            d0.start()

        @pl.when(col == 1)
        def _():
            d1.start()

        d0.wait()
        di.wait()

        def body(i, carry):
            sl = pl.ds(i * lanes, lanes)
            vals_v[sl] = plsc.load_gather(ftab_v, [idx_v[sl]])
            return carry

        lax.fori_loop(0, per_tile // lanes, body, 0)

        @pl.when(col == 0)
        def _():
            pltpu.sync_copy(vals_v, o0_hbm.at[pl.ds(base, per_tile)])

        @pl.when(col == 1)
        def _():
            pltpu.sync_copy(vals_v, o1_hbm.at[pl.ds(base, per_tile)])

    return gather_kernel(idx1d, f0, f1)


def kernel(x, table, W1, b1, W2, b2):
    b, s = x.shape
    f0, f1 = _fuse_table(table, W1, b1, W2, b2)
    idx1d = x.astype(jnp.int32).reshape(-1)
    o0, o1 = _gather_rows(idx1d, f0, f1)
    return jnp.stack([o0.reshape(b, s), o1.reshape(b, s)], axis=-1)

# --- scband reference (transcript-rebuilt; emitter-appended) ---
"""Pipeline reference for scband-net-13228499271942 (READ-ONLY COPY).

The authoritative reference and input builder live on the scoring server;
editing this copy changes nothing except your own understanding.
"""

import jax, jax.numpy as jnp
import numpy as np

VOCAB = 100000
EMB_DIM = 300
BATCH = 4096
SEQ = 50


def setup_inputs(seed: int = 0) -> dict:
    key = jax.random.key(seed)
    k1, k2, k3, k4, k5, k6 = jax.random.split(key, 6)
    x = jax.random.randint(k1, (BATCH, SEQ), 0, VOCAB, dtype=jnp.int64 if jax.config.jax_enable_x64 else jnp.int32)
    table = jax.random.normal(k2, (VOCAB, EMB_DIM), dtype=jnp.float32) * 0.02
    W1 = jax.random.normal(k3, (EMB_DIM, 3), dtype=jnp.float32) * (1.0 / np.sqrt(EMB_DIM))
    b1 = jax.random.normal(k4, (3,), dtype=jnp.float32) * 0.01
    W2 = jax.random.normal(k5, (3, 2), dtype=jnp.float32) * (1.0 / np.sqrt(3.0))
    b2 = jax.random.normal(k6, (2,), dtype=jnp.float32) * 0.01
    return {"x": x, "table": table, "W1": W1, "b1": b1, "W2": W2, "b2": b2}


def reference(x, table, W1, b1, W2, b2):
    emb = jnp.take(table, x, axis=0)            # [B, S, 300] gather (embedding lookup)
    h = jax.nn.relu(emb @ W1 + b1)              # fc1: 300 -> 3
    out = h @ W2 + b2                            # fc2: 3 -> 2
    return out

if __name__ == "__main__":
    import jax
    _d = setup_inputs()
    print(jax.jit(kernel)(*tuple(_d.values())))

</pallas_src>

<mosaic_0001>
#map = affine_map<(d0, d1) -> (0)>
module attributes {stable_mosaic.version = 14 : i64} {
  func.func @gather_kernel(%arg0: i32, %arg1: i32, %arg2: memref<204800xi32, #tpu.memory_space<hbm>>, %arg3: memref<100000xf32, #tpu.memory_space<hbm>>, %arg4: memref<100000xf32, #tpu.memory_space<hbm>>, %arg5: memref<204800xf32, #tpu.memory_space<hbm>>, %arg6: memref<204800xf32, #tpu.memory_space<hbm>>, %arg7: memref<100000xf32, #tpu.memory_space<vmem>>, %arg8: memref<12800xi32, #tpu.memory_space<vmem>>, %arg9: memref<12800xf32, #tpu.memory_space<vmem>>, %arg10: memref<!tpu.dma_semaphore, #tpu.memory_space<semaphore_mem>>, %arg11: memref<!tpu.dma_semaphore, #tpu.memory_space<semaphore_mem>>) attributes {dimension_semantics = [#tpu.dimension_semantics<core_parallel>, #tpu.dimension_semantics<subcore_parallel>], iteration_bounds = array<i64: 2, 16>, scalar_prefetch = 0 : i64, scratch_operands = 5 : i64, tpu.core_type = #tpu.core_type<sc_vector_subcore>, window_params = [{transform_indices = #map}, {transform_indices = #map}, {transform_indices = #map}, {transform_indices = #map}, {transform_indices = #map}]} {
    %mul3A = arith.constant 12800 : i32
    %mul3A_0 = arith.muli %arg1, %mul3A : i32
    %dma_start3A = tpu.memref_slice %arg2[%mul3A_0] : memref<204800xi32, #tpu.memory_space<hbm>> -> memref<12800xi32, #tpu.memory_space<hbm>>
    %dma_start3A_1 = tpu.memref_slice %arg2[%mul3A_0] : memref<204800xi32, #tpu.memory_space<hbm>> -> memref<12800xi32, #tpu.memory_space<hbm>>
    tpu.enqueue_dma source(%dma_start3A_1 : memref<12800xi32, #tpu.memory_space<hbm>>) target(%arg8 : memref<12800xi32, #tpu.memory_space<vmem>>) target_semaphore(%arg11 : memref<!tpu.dma_semaphore, #tpu.memory_space<semaphore_mem>>)
    %eq3A = arith.constant 0 : i32
    %eq3A_2 = arith.cmpi eq, %arg0, %eq3A : i32
    %convert_element_type3A = arith.extui %eq3A_2 : i1 to i32
    %cond3A = arith.constant 0 : i32
    %cond3A_3 = arith.cmpi ne, %convert_element_type3A, %cond3A : i32
    scf.if %cond3A_3 {
      tpu.enqueue_dma source(%arg3 : memref<100000xf32, #tpu.memory_space<hbm>>) target(%arg7 : memref<100000xf32, #tpu.memory_space<vmem>>) target_semaphore(%arg10 : memref<!tpu.dma_semaphore, #tpu.memory_space<semaphore_mem>>)
    } else {
    }
    %eq3A_4 = arith.constant 1 : i32
    %eq3A_5 = arith.cmpi eq, %arg0, %eq3A_4 : i32
    %convert_element_type3A_6 = arith.extui %eq3A_5 : i1 to i32
    %cond3A_7 = arith.constant 0 : i32
    %cond3A_8 = arith.cmpi ne, %convert_element_type3A_6, %cond3A_7 : i32
    scf.if %cond3A_8 {
      tpu.enqueue_dma source(%arg4 : memref<100000xf32, #tpu.memory_space<hbm>>) target(%arg7 : memref<100000xf32, #tpu.memory_space<vmem>>) target_semaphore(%arg10 : memref<!tpu.dma_semaphore, #tpu.memory_space<semaphore_mem>>)
    } else {
    }
    tpu.wait_dma2 semaphore(%arg10 : memref<!tpu.dma_semaphore, #tpu.memory_space<semaphore_mem>>) src(%arg3 : memref<100000xf32, #tpu.memory_space<hbm>>) dst(%arg7 : memref<100000xf32, #tpu.memory_space<vmem>>)
    %dma_wait3A = tpu.memref_slice %arg2[%mul3A_0] : memref<204800xi32, #tpu.memory_space<hbm>> -> memref<12800xi32, #tpu.memory_space<hbm>>
    %dma_wait3A_9 = tpu.memref_slice %arg2[%mul3A_0] : memref<204800xi32, #tpu.memory_space<hbm>> -> memref<12800xi32, #tpu.memory_space<hbm>>
    tpu.wait_dma2 semaphore(%arg11 : memref<!tpu.dma_semaphore, #tpu.memory_space<semaphore_mem>>) src(%dma_wait3A_9 : memref<12800xi32, #tpu.memory_space<hbm>>) dst(%arg8 : memref<12800xi32, #tpu.memory_space<vmem>>)
    %scan3A = arith.constant 0 : i32
    %scan3A_10 = arith.constant 0 : i32
    %scan3A_11 = arith.constant 800 : i32
    %scan3A_12 = arith.addi %scan3A_10, %scan3A_11 : i32
    %scan3A_13 = arith.constant 1 : i32
    scf.for %scan3A_25 = %scan3A_10 to %scan3A_12 step %scan3A_13  : i32 {
      %mul3A_26 = arith.constant 16 : i32
      %mul3A_27 = arith.muli %scan3A_25, %mul3A_26 : i32
      %get3A = arith.index_cast %mul3A_27 : i32 to index
      %get3A_28 = tpu.vector_load %arg8[%get3A] {strides = array<i32>} : memref<12800xi32, #tpu.memory_space<vmem>>, vector<16xi32>,
      %gather3A = tpu.vector_load_idx %arg7[%get3A_28] : memref<100000xf32, #tpu.memory_space<vmem>>[vector<16xi32>], vector<16xf32>,
      %swap3A = arith.index_cast %mul3A_27 : i32 to index
      %swap3A_29 = tpu.vector_load %arg9[%swap3A] {strides = array<i32>} : memref<12800xf32, #tpu.memory_space<vmem>>, vector<16xf32>,
      tpu.vector_store %arg9[%swap3A], %gather3A {strides = array<i32>} : memref<12800xf32, #tpu.memory_space<vmem>>, vector<16xf32>,
    }
    %scan3A_14 = arith.constant 800 : i32
    %eq3A_15 = arith.constant 0 : i32
    %eq3A_16 = arith.cmpi eq, %arg0, %eq3A_15 : i32
    %convert_element_type3A_17 = arith.extui %eq3A_16 : i1 to i32
    %cond3A_18 = arith.constant 0 : i32
    %cond3A_19 = arith.cmpi ne, %convert_element_type3A_17, %cond3A_18 : i32
    scf.if %cond3A_19 {
      "tpu.region"() ({
        %run_scoped3A = tpu.sem_alloc : memref<!tpu.dma_semaphore, #tpu.memory_space<semaphore_mem>>
        %dma_start3A_25 = tpu.memref_slice %arg5[%mul3A_0] : memref<204800xf32, #tpu.memory_space<hbm>> -> memref<12800xf32, #tpu.memory_space<hbm>>
        %dma_start3A_26 = tpu.memref_slice %arg5[%mul3A_0] : memref<204800xf32, #tpu.memory_space<hbm>> -> memref<12800xf32, #tpu.memory_space<hbm>>
        tpu.enqueue_dma source(%arg9 : memref<12800xf32, #tpu.memory_space<vmem>>) target(%dma_start3A_26 : memref<12800xf32, #tpu.memory_space<hbm>>) target_semaphore(%run_scoped3A : memref<!tpu.dma_semaphore, #tpu.memory_space<semaphore_mem>>)
        %dma_wait3A_27 = tpu.memref_slice %arg5[%mul3A_0] : memref<204800xf32, #tpu.memory_space<hbm>> -> memref<12800xf32, #tpu.memory_space<hbm>>
        %dma_wait3A_28 = tpu.memref_slice %arg5[%mul3A_0] : memref<204800xf32, #tpu.memory_space<hbm>> -> memref<12800xf32, #tpu.memory_space<hbm>>
        tpu.wait_dma2 semaphore(%run_scoped3A : memref<!tpu.dma_semaphore, #tpu.memory_space<semaphore_mem>>) src(%arg9 : memref<12800xf32, #tpu.memory_space<vmem>>) dst(%dma_wait3A_28 : memref<12800xf32, #tpu.memory_space<hbm>>)
        tpu.yield
      }) : () -> ()
    } else {
    }
    %eq3A_20 = arith.constant 1 : i32
    %eq3A_21 = arith.cmpi eq, %arg0, %eq3A_20 : i32
    %convert_element_type3A_22 = arith.extui %eq3A_21 : i1 to i32
    %cond3A_23 = arith.constant 0 : i32
    %cond3A_24 = arith.cmpi ne, %convert_element_type3A_22, %cond3A_23 : i32
    scf.if %cond3A_24 {
      "tpu.region"() ({
        %run_scoped3A = tpu.sem_alloc : memref<!tpu.dma_semaphore, #tpu.memory_space<semaphore_mem>>
        %dma_start3A_25 = tpu.memref_slice %arg6[%mul3A_0] : memref<204800xf32, #tpu.memory_space<hbm>> -> memref<12800xf32, #tpu.memory_space<hbm>>
        %dma_start3A_26 = tpu.memref_slice %arg6[%mul3A_0] : memref<204800xf32, #tpu.memory_space<hbm>> -> memref<12800xf32, #tpu.memory_space<hbm>>
        tpu.enqueue_dma source(%arg9 : memref<12800xf32, #tpu.memory_space<vmem>>) target(%dma_start3A_26 : memref<12800xf32, #tpu.memory_space<hbm>>) target_semaphore(%run_scoped3A : memref<!tpu.dma_semaphore, #tpu.memory_space<semaphore_mem>>)
        %dma_wait3A_27 = tpu.memref_slice %arg6[%mul3A_0] : memref<204800xf32, #tpu.memory_space<hbm>> -> memref<12800xf32, #tpu.memory_space<hbm>>
        %dma_wait3A_28 = tpu.memref_slice %arg6[%mul3A_0] : memref<204800xf32, #tpu.memory_space<hbm>> -> memref<12800xf32, #tpu.memory_space<hbm>>
        tpu.wait_dma2 semaphore(%run_scoped3A : memref<!tpu.dma_semaphore, #tpu.memory_space<semaphore_mem>>) src(%arg9 : memref<12800xf32, #tpu.memory_space<vmem>>) dst(%dma_wait3A_28 : memref<12800xf32, #tpu.memory_space<hbm>>)
        tpu.yield
      }) : () -> ()
    } else {
    }
    return
  }
}

module attributes {stable_mosaic.version = 14 : i64} {
  func.func @_mlp_body(%arg0: memref<100000x300xf32, #tpu.memory_space<any>>, %arg1: memref<300x3xf32, #tpu.memory_space<vmem>>, %arg2: memref<1x3xf32, #tpu.memory_space<vmem>>, %arg3: memref<2x3xf32, #tpu.memory_space<vmem>>, %arg4: memref<2x1xf32, #tpu.memory_space<vmem>>, %arg5: memref<100000xf32, #tpu.memory_space<vmem>>, %arg6: memref<100000xf32, #tpu.memory_space<vmem>>, %arg7: memref<4x2048x300xf32, #tpu.memory_space<vmem>>, %arg8: memref<1696x300xf32, #tpu.memory_space<vmem>>, %arg9: memref<4x!tpu.dma_semaphore, #tpu.memory_space<semaphore_mem>>, %arg10: memref<!tpu.dma_semaphore, #tpu.memory_space<semaphore_mem>>) attributes {dimension_semantics = [], scalar_prefetch = 0 : i64, scratch_operands = 4 : i64, tpu.core_type = #tpu.core_type<tc>} {
    %dma_start3A = arith.constant 98304 : i32
    %dma_start3A_0 = arith.constant 0 : i32
    %dma_start3A_1 = tpu.memref_slice %arg0[%dma_start3A, %dma_start3A_0] : memref<100000x300xf32, #tpu.memory_space<any>> -> memref<1696x300xf32, #tpu.memory_space<any>>
    tpu.enqueue_dma source(%dma_start3A_1 : memref<1696x300xf32, #tpu.memory_space<any>>) target(%arg8 : memref<1696x300xf32, #tpu.memory_space<vmem>>) target_semaphore(%arg10 : memref<!tpu.dma_semaphore, #tpu.memory_space<semaphore_mem>>)
    %dma_start3A_2 = arith.constant 0 : i32
    %dma_start3A_3 = arith.constant 0 : i32
    %dma_start3A_4 = tpu.memref_slice %arg9[%dma_start3A_3] : memref<4x!tpu.dma_semaphore, #tpu.memory_space<semaphore_mem>> -> memref<1x!tpu.dma_semaphore, #tpu.memory_space<semaphore_mem>>
    %dma_start3A_5 = tpu.memref_squeeze %dma_start3A_4 : memref<1x!tpu.dma_semaphore, #tpu.memory_space<semaphore_mem>> -> memref<!tpu.dma_semaphore, #tpu.memory_space<semaphore_mem>>
    %dma_start3A_6 = arith.constant 0 : i32
    %dma_start3A_7 = arith.constant 0 : i32
    %dma_start3A_8 = tpu.memref_slice %arg7[%dma_start3A_2, %dma_start3A_6, %dma_start3A_7] : memref<4x2048x300xf32, #tpu.memory_space<vmem>> -> memref<1x2048x300xf32, #tpu.memory_space<vmem>>
    %dma_start3A_9 = tpu.memref_squeeze %dma_start3A_8 : memref<1x2048x300xf32, #tpu.memory_space<vmem>> -> memref<2048x300xf32, #tpu.memory_space<vmem>>
    %dma_start3A_10 = arith.constant 0 : i32
    %dma_start3A_11 = arith.constant 0 : i32
    %dma_start3A_12 = tpu.memref_slice %arg0[%dma_start3A_10, %dma_start3A_11] : memref<100000x300xf32, #tpu.memory_space<any>> -> memref<2048x300xf32, #tpu.memory_space<any>>
    tpu.enqueue_dma source(%dma_start3A_12 : memref<2048x300xf32, #tpu.memory_space<any>>) target(%dma_start3A_9 : memref<2048x300xf32, #tpu.memory_space<vmem>>) target_semaphore(%dma_start3A_5 : memref<!tpu.dma_semaphore, #tpu.memory_space<semaphore_mem>>)
    %dma_start3A_13 = arith.constant 1 : i32
    %dma_start3A_14 = arith.constant 1 : i32
    %dma_start3A_15 = tpu.memref_slice %arg9[%dma_start3A_14] : memref<4x!tpu.dma_semaphore, #tpu.memory_space<semaphore_mem>> -> memref<1x!tpu.dma_semaphore, #tpu.memory_space<semaphore_mem>>
    %dma_start3A_16 = tpu.memref_squeeze %dma_start3A_15 : memref<1x!tpu.dma_semaphore, #tpu.memory_space<semaphore_mem>> -> memref<!tpu.dma_semaphore, #tpu.memory_space<semaphore_mem>>
    %dma_start3A_17 = arith.constant 0 : i32
    %dma_start3A_18 = arith.constant 0 : i32
    %dma_start3A_19 = tpu.memref_slice %arg7[%dma_start3A_13, %dma_start3A_17, %dma_start3A_18] : memref<4x2048x300xf32, #tpu.memory_space<vmem>> -> memref<1x2048x300xf32, #tpu.memory_space<vmem>>
    %dma_start3A_20 = tpu.memref_squeeze %dma_start3A_19 : memref<1x2048x300xf32, #tpu.memory_space<vmem>> -> memref<2048x300xf32, #tpu.memory_space<vmem>>
    %dma_start3A_21 = arith.constant 2048 : i32
    %dma_start3A_22 = arith.constant 0 : i32
    %dma_start3A_23 = tpu.memref_slice %arg0[%dma_start3A_21, %dma_start3A_22] : memref<100000x300xf32, #tpu.memory_space<any>> -> memref<2048x300xf32, #tpu.memory_space<any>>
    tpu.enqueue_dma source(%dma_start3A_23 : memref<2048x300xf32, #tpu.memory_space<any>>) target(%dma_start3A_20 : memref<2048x300xf32, #tpu.memory_space<vmem>>) target_semaphore(%dma_start3A_16 : memref<!tpu.dma_semaphore, #tpu.memory_space<semaphore_mem>>)
    %dma_start3A_24 = arith.constant 2 : i32
    %dma_start3A_25 = arith.constant 2 : i32
    %dma_start3A_26 = tpu.memref_slice %arg9[%dma_start3A_25] : memref<4x!tpu.dma_semaphore, #tpu.memory_space<semaphore_mem>> -> memref<1x!tpu.dma_semaphore, #tpu.memory_space<semaphore_mem>>
    %dma_start3A_27 = tpu.memref_squeeze %dma_start3A_26 : memref<1x!tpu.dma_semaphore, #tpu.memory_space<semaphore_mem>> -> memref<!tpu.dma_semaphore, #tpu.memory_space<semaphore_mem>>
    %dma_start3A_28 = arith.constant 0 : i32
    %dma_start3A_29 = arith.constant 0 : i32
    %dma_start3A_30 = tpu.memref_slice %arg7[%dma_start3A_24, %dma_start3A_28, %dma_start3A_29] : memref<4x2048x300xf32, #tpu.memory_space<vmem>> -> memref<1x2048x300xf32, #tpu.memory_space<vmem>>
    %dma_start3A_31 = tpu.memref_squeeze %dma_start3A_30 : memref<1x2048x300xf32, #tpu.memory_space<vmem>> -> memref<2048x300xf32, #tpu.memory_space<vmem>>
    %dma_start3A_32 = arith.constant 4096 : i32
    %dma_start3A_33 = arith.constant 0 : i32
    %dma_start3A_34 = tpu.memref_slice %arg0[%dma_start3A_32, %dma_start3A_33] : memref<100000x300xf32, #tpu.memory_space<any>> -> memref<2048x300xf32, #tpu.memory_space<any>>
    tpu.enqueue_dma source(%dma_start3A_34 : memref<2048x300xf32, #tpu.memory_space<any>>) target(%dma_start3A_31 : memref<2048x300xf32, #tpu.memory_space<vmem>>) target_semaphore(%dma_start3A_27 : memref<!tpu.dma_semaphore, #tpu.memory_space<semaphore_mem>>)
    %dma_start3A_35 = arith.constant 3 : i32
    %dma_start3A_36 = arith.constant 3 : i32
    %dma_start3A_37 = tpu.memref_slice %arg9[%dma_start3A_36] : memref<4x!tpu.dma_semaphore, #tpu.memory_space<semaphore_mem>> -> memref<1x!tpu.dma_semaphore, #tpu.memory_space<semaphore_mem>>
    %dma_start3A_38 = tpu.memref_squeeze %dma_start3A_37 : memref<1x!tpu.dma_semaphore, #tpu.memory_space<semaphore_mem>> -> memref<!tpu.dma_semaphore, #tpu.memory_space<semaphore_mem>>
    %dma_start3A_39 = arith.constant 0 : i32
    %dma_start3A_40 = arith.constant 0 : i32
    %dma_start3A_41 = tpu.memref_slice %arg7[%dma_start3A_35, %dma_start3A_39, %dma_start3A_40] : memref<4x2048x300xf32, #tpu.memory_space<vmem>> -> memref<1x2048x300xf32, #tpu.memory_space<vmem>>
    %dma_start3A_42 = tpu.memref_squeeze %dma_start3A_41 : memref<1x2048x300xf32, #tpu.memory_space<vmem>> -> memref<2048x300xf32, #tpu.memory_space<vmem>>
    %dma_start3A_43 = arith.constant 6144 : i32
    %dma_start3A_44 = arith.constant 0 : i32
    %dma_start3A_45 = tpu.memref_slice %arg0[%dma_start3A_43, %dma_start3A_44] : memref<100000x300xf32, #tpu.memory_space<any>> -> memref<2048x300xf32, #tpu.memory_space<any>>
    tpu.enqueue_dma source(%dma_start3A_45 : memref<2048x300xf32, #tpu.memory_space<any>>) target(%dma_start3A_42 : memref<2048x300xf32, #tpu.memory_space<vmem>>) target_semaphore(%dma_start3A_38 : memref<!tpu.dma_semaphore, #tpu.memory_space<semaphore_mem>>)
    %scan3A = arith.constant 0 : i32
    %scan3A_46 = arith.constant 48 : i32
    %scan3A_47 = arith.addi %scan3A, %scan3A_46 : i32
    %scan3A_48 = arith.constant 1 : i32
    scf.for %scan3A_79 = %scan3A to %scan3A_47 step %scan3A_48  : i32 {
      %rem3A = arith.constant 4 : i32
      %rem3A_80 = arith.remsi %scan3A_79, %rem3A : i32
      %mul3A = arith.constant 2048 : i32
      %mul3A_81 = arith.muli %scan3A_79, %mul3A : i32
      %dma_wait3A_82 = tpu.memref_slice %arg9[%rem3A_80] : memref<4x!tpu.dma_semaphore, #tpu.memory_space<semaphore_mem>> -> memref<1x!tpu.dma_semaphore, #tpu.memory_space<semaphore_mem>>
      %dma_wait3A_83 = tpu.memref_squeeze %dma_wait3A_82 : memref<1x!tpu.dma_semaphore, #tpu.memory_space<semaphore_mem>> -> memref<!tpu.dma_semaphore, #tpu.memory_space<semaphore_mem>>
      %dma_wait3A_84 = arith.constant 0 : i32
      %dma_wait3A_85 = arith.constant 0 : i32
      %dma_wait3A_86 = tpu.memref_slice %arg7[%rem3A_80, %dma_wait3A_84, %dma_wait3A_85] : memref<4x2048x300xf32, #tpu.memory_space<vmem>> -> memref<1x2048x300xf32, #tpu.memory_space<vmem>>
      %dma_wait3A_87 = tpu.memref_squeeze %dma_wait3A_86 : memref<1x2048x300xf32, #tpu.memory_space<vmem>> -> memref<2048x300xf32, #tpu.memory_space<vmem>>
      %dma_wait3A_88 = arith.constant 0 : i32
      %dma_wait3A_89 = tpu.memref_slice %arg0[%mul3A_81, %dma_wait3A_88] : memref<100000x300xf32, #tpu.memory_space<any>> -> memref<2048x300xf32, #tpu.memory_space<any>>
      tpu.wait_dma2 semaphore(%dma_wait3A_83 : memref<!tpu.dma_semaphore, #tpu.memory_space<semaphore_mem>>) src(%dma_wait3A_89 : memref<2048x300xf32, #tpu.memory_space<any>>) dst(%dma_wait3A_87 : memref<2048x300xf32, #tpu.memory_space<vmem>>)
      %get3A_90 = arith.index_cast %rem3A_80 : i32 to index
      %get3A_91 = arith.constant 0 : index
      %get3A_92 = arith.constant 0 : index
      %get3A_93 = vector.load %arg7[%get3A_90, %get3A_91, %get3A_92] : memref<4x2048x300xf32, #tpu.memory_space<vmem>>, vector<1x2048x300xf32>
      %get3A_94 = vector.shape_cast %get3A_93 : vector<1x2048x300xf32> to vector<2048x300xf32>
      %get3A_95 = arith.constant 0 : index
      %get3A_96 = arith.constant 0 : index
      %get3A_97 = vector.load %arg1[%get3A_95, %get3A_96] : memref<300x3xf32, #tpu.memory_space<vmem>>, vector<300x3xf32>
      %dot_general3A_98 = arith.constant dense<0.000000e+00> : vector<2048x3xf32>
      %dot_general3A_99 = tpu.matmul %get3A_94, %get3A_97, %dot_general3A_98 {dimension_numbers = #tpu.dot_dimension_numbers<[1], [0], [0], [1], [0, 0, 1, 1], [], []>, transpose_lhs_hint = false} : vector<2048x300xf32>, vector<300x3xf32>, vector<2048x3xf32> -> vector<2048x3xf32>
      %get3A_100 = arith.constant 0 : index
      %get3A_101 = arith.constant 0 : index
      %get3A_102 = vector.load %arg2[%get3A_100, %get3A_101] : memref<1x3xf32, #tpu.memory_space<vmem>>, vector<1x3xf32>
      %add3A_103 = vector.broadcast %get3A_102 : vector<1x3xf32> to vector<2048x3xf32>
      %add3A_104 = arith.addf %dot_general3A_99, %add3A_103 : vector<2048x3xf32>
      %max3A_105 = arith.constant 0.000000e+00 : f32
      %max3A_106 = vector.broadcast %max3A_105 : f32 to vector<2048x3xf32>
      %max3A_107 = arith.maximumf %add3A_104, %max3A_106 : vector<2048x3xf32>
      %get3A_108 = arith.constant 0 : index
      %get3A_109 = arith.constant 0 : index
      %get3A_110 = vector.load %arg3[%get3A_108, %get3A_109] : memref<2x3xf32, #tpu.memory_space<vmem>>, vector<2x3xf32>
      %dot_general3A_111 = arith.constant dense<0.000000e+00> : vector<2x2048xf32>
      %dot_general3A_112 = tpu.matmul %get3A_110, %max3A_107, %dot_general3A_111 {dimension_numbers = #tpu.dot_dimension_numbers<[1], [1], [0], [0], [0, 0, 1, 0], [], []>, transpose_lhs_hint = false} : vector<2x3xf32>, vector<2048x3xf32>, vector<2x2048xf32> -> vector<2x2048xf32>
      %get3A_113 = arith.constant 0 : index
      %get3A_114 = arith.constant 0 : index
      %get3A_115 = vector.load %arg4[%get3A_113, %get3A_114] : memref<2x1xf32, #tpu.memory_space<vmem>>, vector<2x1xf32>
      %add3A_116 = vector.broadcast %get3A_115 : vector<2x1xf32> to vector<2x2048xf32>
      %add3A_117 = arith.addf %dot_general3A_112, %add3A_116 : vector<2x2048xf32>
      %slice3A_118 = vector.extract_strided_slice %add3A_117 {offsets = [0, 0], sizes = [1, 2048], strides = [1, 1]} : vector<2x2048xf32> to vector<1x2048xf32>
      %reshape3A_119 = vector.shape_cast %slice3A_118 : vector<1x2048xf32> to vector<2048xf32>
      %mul3A_120 = arith.constant 2048 : i32
      %mul3A_121 = arith.muli %scan3A_79, %mul3A_120 : i32
      %swap3A_122 = arith.index_cast %mul3A_121 : i32 to index
      %swap3A_123 = vector.load %arg5[%swap3A_122] : memref<100000xf32, #tpu.memory_space<vmem>>, vector<2048xf32>
      tpu.vector_store %arg5[%swap3A_122], %reshape3A_119 {strides = array<i32>} : memref<100000xf32, #tpu.memory_space<vmem>>, vector<2048xf32>,
      %slice3A_124 = vector.extract_strided_slice %add3A_117 {offsets = [1, 0], sizes = [1, 2048], strides = [1, 1]} : vector<2x2048xf32> to vector<1x2048xf32>
      %reshape3A_125 = vector.shape_cast %slice3A_124 : vector<1x2048xf32> to vector<2048xf32>
      %mul3A_126 = arith.constant 2048 : i32
      %mul3A_127 = arith.muli %scan3A_79, %mul3A_126 : i32
      %swap3A_128 = arith.index_cast %mul3A_127 : i32 to index
      %swap3A_129 = vector.load %arg6[%swap3A_128] : memref<100000xf32, #tpu.memory_space<vmem>>, vector<2048xf32>
      tpu.vector_store %arg6[%swap3A_128], %reshape3A_125 {strides = array<i32>} : memref<100000xf32, #tpu.memory_space<vmem>>, vector<2048xf32>,
      %add3A_130 = arith.constant 4 : i32
      %add3A_131 = arith.addi %scan3A_79, %add3A_130 : i32
      %lt3A = arith.constant 48 : i32
      %lt3A_132 = arith.cmpi slt, %add3A_131, %lt3A : i32
      %convert_element_type3A = arith.extui %lt3A_132 : i1 to i32
      %cond3A = arith.constant 0 : i32
      %cond3A_133 = arith.cmpi ne, %convert_element_type3A, %cond3A : i32
      scf.if %cond3A_133 {
        %add3A_134 = arith.constant 4 : i32
        %add3A_135 = arith.addi %scan3A_79, %add3A_134 : i32
        %mul3A_136 = arith.constant 2048 : i32
        %mul3A_137 = arith.muli %add3A_135, %mul3A_136 : i32
        %dma_start3A_138 = tpu.memref_slice %arg9[%rem3A_80] : memref<4x!tpu.dma_semaphore, #tpu.memory_space<semaphore_mem>> -> memref<1x!tpu.dma_semaphore, #tpu.memory_space<semaphore_mem>>
        %dma_start3A_139 = tpu.memref_squeeze %dma_start3A_138 : memref<1x!tpu.dma_semaphore, #tpu.memory_space<semaphore_mem>> -> memref<!tpu.dma_semaphore, #tpu.memory_space<semaphore_mem>>
        %dma_start3A_140 = arith.constant 0 : i32
        %dma_start3A_141 = arith.constant 0 : i32
        %dma_start3A_142 = tpu.memref_slice %arg7[%rem3A_80, %dma_start3A_140, %dma_start3A_141] : memref<4x2048x300xf32, #tpu.memory_space<vmem>> -> memref<1x2048x300xf32, #tpu.memory_space<vmem>>
        %dma_start3A_143 = tpu.memref_squeeze %dma_start3A_142 : memref<1x2048x300xf32, #tpu.memory_space<vmem>> -> memref<2048x300xf32, #tpu.memory_space<vmem>>
        %dma_start3A_144 = arith.constant 0 : i32
        %dma_start3A_145 = tpu.memref_slice %arg0[%mul3A_137, %dma_start3A_144] : memref<100000x300xf32, #tpu.memory_space<any>> -> memref<2048x300xf32, #tpu.memory_space<any>>
        tpu.enqueue_dma source(%dma_start3A_145 : memref<2048x300xf32, #tpu.memory_space<any>>) target(%dma_start3A_143 : memref<2048x300xf32, #tpu.memory_space<vmem>>) target_semaphore(%dma_start3A_139 : memref<!tpu.dma_semaphore, #tpu.memory_space<semaphore_mem>>)
      } else {
      }
    }
    %scan3A_49 = arith.constant 48 : i32
    %dma_wait3A = arith.constant 98304 : i32
    %dma_wait3A_50 = arith.constant 0 : i32
    %dma_wait3A_51 = tpu.memref_slice %arg0[%dma_wait3A, %dma_wait3A_50] : memref<100000x300xf32, #tpu.memory_space<any>> -> memref<1696x300xf32, #tpu.memory_space<any>>
    tpu.wait_dma2 semaphore(%arg10 : memref<!tpu.dma_semaphore, #tpu.memory_space<semaphore_mem>>) src(%dma_wait3A_51 : memref<1696x300xf32, #tpu.memory_space<any>>) dst(%arg8 : memref<1696x300xf32, #tpu.memory_space<vmem>>)
    %get3A = arith.constant 0 : index
    %get3A_52 = arith.constant 0 : index
    %get3A_53 = vector.load %arg8[%get3A, %get3A_52] : memref<1696x300xf32, #tpu.memory_space<vmem>>, vector<1696x300xf32>
    %get3A_54 = arith.constant 0 : index
    %get3A_55 = arith.constant 0 : index
    %get3A_56 = vector.load %arg1[%get3A_54, %get3A_55] : memref<300x3xf32, #tpu.memory_space<vmem>>, vector<300x3xf32>
    %dot_general3A = arith.constant dense<0.000000e+00> : vector<1696x3xf32>
    %dot_general3A_57 = tpu.matmul %get3A_53, %get3A_56, %dot_general3A {dimension_numbers = #tpu.dot_dimension_numbers<[1], [0], [0], [1], [0, 0, 1, 1], [], []>, transpose_lhs_hint = false} : vector<1696x300xf32>, vector<300x3xf32>, vector<1696x3xf32> -> vector<1696x3xf32>
    %get3A_58 = arith.constant 0 : index
    %get3A_59 = arith.constant 0 : index
    %get3A_60 = vector.load %arg2[%get3A_58, %get3A_59] : memref<1x3xf32, #tpu.memory_space<vmem>>, vector<1x3xf32>
    %add3A = vector.broadcast %get3A_60 : vector<1x3xf32> to vector<1696x3xf32>
    %add3A_61 = arith.addf %dot_general3A_57, %add3A : vector<1696x3xf32>
    %max3A = arith.constant 0.000000e+00 : f32
    %max3A_62 = vector.broadcast %max3A : f32 to vector<1696x3xf32>
    %max3A_63 = arith.maximumf %add3A_61, %max3A_62 : vector<1696x3xf32>
    %get3A_64 = arith.constant 0 : index
    %get3A_65 = arith.constant 0 : index
    %get3A_66 = vector.load %arg3[%get3A_64, %get3A_65] : memref<2x3xf32, #tpu.memory_space<vmem>>, vector<2x3xf32>
    %dot_general3A_67 = arith.constant dense<0.000000e+00> : vector<2x1696xf32>
    %dot_general3A_68 = tpu.matmul %get3A_66, %max3A_63, %dot_general3A_67 {dimension_numbers = #tpu.dot_dimension_numbers<[1], [1], [0], [0], [0, 0, 1, 0], [], []>, transpose_lhs_hint = false} : vector<2x3xf32>, vector<1696x3xf32>, vector<2x1696xf32> -> vector<2x1696xf32>
    %get3A_69 = arith.constant 0 : index
    %get3A_70 = arith.constant 0 : index
    %get3A_71 = vector.load %arg4[%get3A_69, %get3A_70] : memref<2x1xf32, #tpu.memory_space<vmem>>, vector<2x1xf32>
    %add3A_72 = vector.broadcast %get3A_71 : vector<2x1xf32> to vector<2x1696xf32>
    %add3A_73 = arith.addf %dot_general3A_68, %add3A_72 : vector<2x1696xf32>
    %slice3A = vector.extract_strided_slice %add3A_73 {offsets = [0, 0], sizes = [1, 1696], strides = [1, 1]} : vector<2x1696xf32> to vector<1x1696xf32>
    %reshape3A = vector.shape_cast %slice3A : vector<1x1696xf32> to vector<1696xf32>
    %swap3A = arith.constant 98304 : index
    %swap3A_74 = vector.load %arg5[%swap3A] : memref<100000xf32, #tpu.memory_space<vmem>>, vector<1696xf32>
    tpu.vector_store %arg5[%swap3A], %reshape3A {strides = array<i32>} : memref<100000xf32, #tpu.memory_space<vmem>>, vector<1696xf32>,
    %slice3A_75 = vector.extract_strided_slice %add3A_73 {offsets = [1, 0], sizes = [1, 1696], strides = [1, 1]} : vector<2x1696xf32> to vector<1x1696xf32>
    %reshape3A_76 = vector.shape_cast %slice3A_75 : vector<1x1696xf32> to vector<1696xf32>
    %swap3A_77 = arith.constant 98304 : index
    %swap3A_78 = vector.load %arg6[%swap3A_77] : memref<100000xf32, #tpu.memory_space<vmem>>, vector<1696xf32>
    tpu.vector_store %arg6[%swap3A_77], %reshape3A_76 {strides = array<i32>} : memref<100000xf32, #tpu.memory_space<vmem>>, vector<1696xf32>,
    return
  }
}

</mosaic_0001>

<sc_bundles>
// kernel: kernel.4.cloned.1.call-start
scs
__scs_entry_jumppad:
0x0: {  	(pc) =	sbr.rel $0x88, $3  }
0x1: {  	(tag) =	ssettag $0x0;
	lr =	simm.s32 $0x1  }
0x2: {  	[smem:$0x3F9B] =	sst lr;
	_ =	strace $0xD0000000  }
0x3: {  	_ = 	snop  }
0x4: {  	_ = 	snop  }
0x5: {  	_ = 	snop  }
0x6: {  	_ = 	snop  }
0x7: {  	_ = 	snop  }
__scs_overlays_trampoline_lowered:
0x8: {  	[smem:$0x3FAA] =	sst s0  }
0x9: {  	[smem:$0x3FAB] =	sst s1  }
0xa: {  	[smem:$0x3FAC] =	sst s2  }
0xb: {  	[smem:$0x3FAD] =	sst s3  }
0xc: {  	[smem:$0x3FAE] =	sst s4  }
0xd: {  	[smem:$0x3FAF] =	sst s5  }
0xe: {  	[smem:$0x3FB0] =	sst s6  }
0xf: {  	[smem:$0x3FB1] =	sst s7  }
0x10: {  	[smem:$0x3FB2] =	sst s8  }
0x11: {  	[smem:$0x3FB3] =	sst s9;
	s0 =	simm.s32 @!p0 $0x0  }
0x12: {  	s1 =	sld [smem:$0x3F99];
	s0 =	simm.s32 @p0 $0x1  }
0x13: {  	[smem:$0x3FB4] =	sst s0;
	s0 =	simm.s32 @!p1 $0x0  }
0x14: {  	s2 =	sld [smem:$0x3F98];
	s0 =	simm.s32 @p1 $0x1  }
0x15: {  	[smem:$0x3FB5] =	sst s0;
	s0 =	simm.s32 @!p2 $0x0  }
0x16: {  	s3 =	sld [smem:$0x3FDB];
	s0 =	simm.s32 @p2 $0x1  }
0x17: {  	s4 =	simm.s32 $0x1BF5;
	[smem:$0x3FB7] =	sst s0  }
0x18: {  	s0 =	sld [smem:$0x3F9A];
	_ =	swait.ge [sflag:s4], $0x0  }
0x19: {  	s7 =	sld [smem:$0x3F9B]  }
0x1a: {  	s8 =	sadd.s32 $0xFFFFE003, lr  }
0x1b: {  	s9 =	sadd.s32 $0xFFFFFEF7, lr;
	s5 =	simm.s32 $0xFFFFFFFF;
	p2 =	slt.u32 s8, $0xFFFFF086  }
0x1c: {  	p1 =	slt.u32 s9, $0xF7A;
	s5 =	simm.s32 @!p2 $0x0  }
0x1d: {  	s5 =	simm.s32 @p1 $0x1;
	p0 =	seq.s32 s7, s2  }
0x1e: {  	s7 =	smul.u32 @!p0 $0xF7A, s2;
	p2 =	seq.s32 @!p0 s5, $0x0  }
0x1f: {  	s9 =	smul.u32 $0xF7A, s1;
	s8 =	simm.s32 @!p0 $0x1BF5;
	p2 =	por !p2, p0  }
0x20: {  	[sflag:s8] =	ssyncset.s32 @!p0 $0xFFFFF086;
	s6 =	sadd.s32 @!p0 s3, s7;
	s7 =	simm.s32 @!p0 $0x108  }
0x21: {  	s3 =	sadd.s32 s3, s9;
	s6 =	sadd.s32 @!p0 $0x88, s6;
	s7 =	simm.s32 @p2 $0x1082  }
0x22: {  	[simem:s7], [sflag:s8] =	dma.local @!p0 [hbm:s6], $0xF7A  }
0x23: {  	s9 =	sor.u32 $0xD0000000, s2;
	s6 =	simm.s32 $0x108;
	_ =	swait.ge @!p0 [sflag:s8], $0x0  }
0x24: {  	s3 =	sadd.s32 $0x88, s3;
	s6 =	simm.s32 @!p1 $0x1082;
	[sflag:s4] =	ssyncset.s32 $0xFFFFF086  }
0x25: {  	[simem:s6], [sflag:s4] =	dma.local [hbm:s3], $0xF7A  }
0x26: {  	[smem:$0x3F9B] =	sst s1;
	(tag) =	ssettag s2;
	_ =	strace s9  }
0x27: {  	s1 =	sld [smem:$0x3FAB]  }
0x28: {  	s2 =	sld [smem:$0x3FAC]  }
0x29: {  	s4 =	sld [smem:$0x3FAE]  }
0x2a: {  	p0 =	seq.s32 s5, $0x0;
	s5 =	sld [smem:$0x3FAF]  }
0x2b: {  	s6 =	sld [smem:$0x3FB0]  }
0x2c: {  	s7 =	sld [smem:$0x3FB1]  }
0x2d: {  	s3 =	simm.s32 $0x108;
	s8 =	sld [smem:$0x3FB2]  }
0x2e: {  	s3 =	simm.s32 @!p0 $0x1082;
	s9 =	sld [smem:$0x3FB3]  }
0x2f: {  	lr =	sadd.s32 s0, s3;
	s0 =	sld [smem:$0x3FAA]  }
0x30: {  	s3 =	sld [smem:$0x3FAD]  }
0x31: {  	[smem:$0x3FB6] =	sst s10  }
0x32: {  	s10 =	sld [smem:$0x3FB4];
	_ =	sdelay $0x3  }
0x33: {  	p0 =	seq.s32 s10, $0x1;
	s10 =	sld [smem:$0x3FB6];
	_ =	sdelay $0x3  }
0x34: {  	[smem:$0x3FB6] =	sst s10  }
0x35: {  	s10 =	sld [smem:$0x3FB5];
	_ =	sdelay $0x3  }
0x36: {  	p1 =	seq.s32 s10, $0x1;
	s10 =	sld [smem:$0x3FB6];
	_ =	sdelay $0x3  }
0x37: {  	[smem:$0x3FB6] =	sst s10  }
0x38: {  	s10 =	sld [smem:$0x3FB7]  }
0x39: {  	_ = 	snop;
	(pc) =	sbr.ind lr, $3  }
0x3a: {  	_ = 	snop  }
0x3b: {  	_ = 	snop  }
0x3c: {  	p2 =	seq.s32 s10, $0x1;
	s10 =	sld [smem:$0x3FB6]  }
0x3d: {  	_ =	shalt  }
0x3e: {  	_ =	shalt  }
0x3f: {  	_ =	shalt  }
0x40: {  	_ =	shalt  }
0x41: {  	_ =	shalt  }
0x42: {  	_ =	shalt  }
0x43: {  	_ =	shalt  }
0x44: {  	_ =	shalt  }
0x45: {  	_ =	shalt  }
0x46: {  	_ =	shalt  }
0x47: {  	_ =	shalt  }
0x48: {  	_ =	shalt  }
0x49: {  	_ =	shalt  }
0x4a: {  	_ =	shalt  }
0x4b: {  	_ =	shalt  }
0x4c: {  	_ =	shalt  }
0x4d: {  	_ =	shalt  }
0x4e: {  	_ =	shalt  }
0x4f: {  	_ =	shalt  }
0x50: {  	_ =	shalt  }
0x51: {  	_ =	shalt  }
0x52: {  	_ =	shalt  }
0x53: {  	_ =	shalt  }
0x54: {  	_ =	shalt  }
0x55: {  	_ =	shalt  }
0x56: {  	_ =	shalt  }
0x57: {  	_ =	shalt  }
0x58: {  	_ =	shalt  }
0x59: {  	_ =	shalt  }
0x5a: {  	_ =	shalt  }
0x5b: {  	_ =	shalt  }
0x5c: {  	_ =	shalt  }
0x5d: {  	_ =	shalt  }
0x5e: {  	_ =	shalt  }
0x5f: {  	_ =	shalt  }
0x60: {  	_ =	shalt  }
0x61: {  	_ =	shalt  }
0x62: {  	_ =	shalt  }
0x63: {  	_ =	shalt  }
0x64: {  	_ =	shalt  }
0x65: {  	_ =	shalt  }
0x66: {  	_ =	shalt  }
0x67: {  	_ =	shalt  }
0x68: {  	_ =	shalt  }
0x69: {  	_ =	shalt  }
0x6a: {  	_ =	shalt  }
0x6b: {  	_ =	shalt  }
0x6c: {  	_ =	shalt  }
0x6d: {  	_ =	shalt  }
0x6e: {  	_ =	shalt  }
0x6f: {  	_ =	shalt  }
0x70: {  	_ =	shalt  }
0x71: {  	_ =	shalt  }
0x72: {  	_ =	shalt  }
0x73: {  	_ =	shalt  }
0x74: {  	_ =	shalt  }
0x75: {  	_ =	shalt  }
0x76: {  	_ =	shalt  }
0x77: {  	_ =	shalt  }
0x78: {  	_ =	shalt  }
0x79: {  	_ =	shalt  }
0x7a: {  	_ =	shalt  }
0x7b: {  	_ =	shalt  }
0x7c: {  	_ =	shalt  }
0x7d: {  	_ =	shalt  }
0x7e: {  	_ =	shalt  }
0x7f: {  	_ =	shalt  }
0x80: {  	_ =	shalt  }
0x81: {  	_ =	shalt  }
0x82: {  	_ =	shalt  }
0x83: {  	_ =	shalt  }
0x84: {  	_ =	shalt  }
0x85: {  	_ =	shalt  }
0x86: {  	_ =	shalt  }
0x87: {  	_ =	shalt  }
.Lfunc_end0:
.L_simem_size_0:
called_computation_lowered:
.L_overlay_start_0:
0x88: {  	s2 =	sld [smem:$0x3FD9]  }
0x89: {  	s3 =	sld [smem:$0x3FFE];
	_ =	sdelay $0x1  }
0x8a: {  	s1 =	srdreg.scid  }
0x8b: {  	s0 =	sand.u32 $0x1, s1  }
0x8c: {  	s17 =	sshll.u32 s0, $0xA;
	s2 =	sadd.s32 s3, s2  }
0x8d: {  	s2 =	sadd.s32 s2, s17  }
0x8e: {  	[smem:$0x3FC2] =	sst s2  }
0x8f: {  	_ = 	snop  }
0x90: {  	s2 =	sld [smem:$0x3FD0];
	(tm) =	ssettm $0x1  }
0x91: {  	s18 =	sld [smem:$0x3FFB];
	_ =	sdelay $0x3  }
0x92: {  	_ =	strace s18  }
0x93: {  	s3 =	sld [smem:$0x3FFC];
	_ =	sdelay $0x3  }
0x94: {  	_ =	strace s3  }
0x95: {  	s3 =	sld [smem:$0x3FFD];
	_ =	sdelay $0x3  }
0x96: {  	_ =	strace s3  }
0x97: {  	_ =	strace $0x8FFFFFFF  }
0x98: {  	s19 =	sld [smem:$0x3FDB];
	_ =	sdelay $0x1  }
0x99: {  	s4 =	simm.s32 $_scs_section_size  }
0x9a: {  	s5 =	simm.s32 $_size__tile_overlayer_lowered;
	s6 =	simm.s32 $_tile_overlayer_lowered  }
0x9b: {  	s22 =	simm.s32 $0x1BFF;
	s21 =	sshll.u32 s6, $0x1;
	s3 =	sadd.s32 s4, s19  }
0x9c: {  	s7 =	simm.s32 $0x0;
	s20 =	sshll.u32 s5, $0x1;
	s5 =	sadd.s32 s21, s3  }
0x9d: {  	[timem:s7], [sflag:s22] =	dma.local [hbm:s5], s20  }
0x9e: {  	_ =	swait.ge [sflag:s22], s20  }
0x9f: {  	s4 =	ssub.s32 $0x0, s20;
	[sflag:s22] =	ssyncset.done $0x0  }
0xa0: {  	[sflag:s22] =	ssyncadd.s32 s4;
	_ =	sdelay $0x1  }
0xa1: {  	s23 =	simm.s32 $0x1B8B  }
0xa2: {  	_ =	swait.ge [sflag:s23], $0x1  }
0xa3: {  	[sflag:s23] =	ssyncset.done $0x0  }
0xa4: {  	s25 =	simm.s32 $0x1B8E;
	s24 =	sld [smem:$0x3FFE];
	[sflag:s23] =	ssyncadd.s32 $0xFFFFFFFF  }
0xa5: {  	s26 =	simm.s32 $execute0_lowered;
	[smem:$0x3FD2] =	sst s25  }
0xa6: {  	s5 =	sshll.u32 s26, $0x1;
	_ =	strace $0x80000046;
	[dreg:$0x1] =	wrdreg $0xFFFFFFFF  }
0xa7: {  	s28 =	simm.s32 $_size_execute0_lowered;
	s3 =	sadd.s32 s3, s5;
	[dreg:$0x0] =	wrdreg $0x0  }
0xa8: {  	s5 =	sshll.u32 s28, $0x1;
	[dreg:$0x2] =	wrdreg s3  }
0xa9: {  	[dreg:$0x3] =	wrdreg s5  }
0xaa: {  	[dreg:$0x4] =	wrdreg $0xC0  }
0xab: {  	_ =	task [dreg:s7], $0x5FFFF  }
0xac: {  	[dreg:$0x1] =	wrdreg $0xFFFFFFFF  }
0xad: {  	[dreg:$0x0] =	wrdreg $0x60  }
0xae: {  	[dreg:$0x2] =	wrdreg s2  }
0xaf: {  	[dreg:$0x3] =	wrdreg s24  }
0xb0: {  	[dreg:$0x4] =	wrdreg $0x9  }
0xb1: {  	_ =	task.clear_ibuf [dreg:s7], $0x5FFFF;
	_ =	strace $0x90000046  }
0xb2: {  	s29 =	simm.s32 $0x9;
	_ =	strace $0x80000048  }
0xb3: {  	_ =	swait.ge [sflag:s29], $0x1  }
0xb4: {  	[sflag:s29] =	ssyncadd.s32 $0xFFFFFFFF  }
0xb5: {  	_ =	strace $0x90000048  }
0xb6: {  	_ =	sfence  }
0xb7: {  	s30 =	sld [smem:$0x0];
	_ =	sdelay $0x2  }
0xb8: {  	s31 =	sshll.u32 s1, $0xD;
	s1 =	sshrl.u32 s1, $0x2  }
0xb9: {  	s3 =	sand.u32 $0x4000, s31;
	s1 =	sadd.s32 s1, s30  }
0xba: {  	s0 =	sor.u32 s3, s0;
	s1 =	sshll.u32 s1, $0x11  }
0xbb: {  	s0 =	sor.u32 s1, s0  }
0xbc: {  	s0 =	sadd.s32 $0x8F2B, s0  }
0xbd: {  	[sflag:s0] =	ssyncadd.remote.s32 $0x1  }
0xbe: {  	_ =	sfence.sel $0xFFFF  }
0xbf: {  	[dreg:$0x0] =	wrdreg $0xFFFFFFFF;
	(pc) =	sbr.abs _section_cstart, $3  }
0xc0: {  	[dreg:$0x1] =	wrdreg $0xFFFFFFFF  }
0xc1: {  	_ =	task.clear_ibuf [dreg:s7], $0x2FFFF;
	_ =	strace $0x9FFFFFFF  }
0xc2: {  	(tm) =	ssettm $0x7FFFFFFF  }
0xc3: {  	_ =	shalt  }
tec
execute0_lowered:
.L_overlay_start_1:
0x0: {  	(tag) =	ssettag $0x1  }
0x1: {  	s4 =	rddreg [dreg:$0x0]  }
0x2: {  	s5 =	rddreg [dreg:$0x1]  }
0x3: {  	s0 =	rddreg [dreg:$0x2];
	s1 =	simm.s32 $0x0;
	s7 =	srdreg.scid  }
0x4: {  	s2 =	stileid.u32;
	s12 =	simm.s32 $0x0;
	[smem:$0x7FF] =	sst s1  }
0x5: {  	s6 =	sadd.s32 $0x1A00, s5;
	s3 =	sadd.s32 $0x4C00, s5;
	s7 =	sand.u32 $0x1, s7  }
0x6: {  	s8 =	sadd.s32 $0x7E00, s5;
	s10 =	smul.u32 $0x640, s2;
	s11 =	sadd.s32 $0xE200, s5  }
0x7: {  	_ =	strace $0x80000047;
	s9 =	ssub.s32 $0x2, s7;
	p0 =	seq.s32 s7, $0x0  }
0x8: {  	s7 =	simm.s32 $0x186A0;
	s31 =	sshrl.u32 s9, $0x1;
	s4 =	sadd.s32 s4, s10  }
0x9: {  	s11 =	smov.u32 @p0 s8;
	s3 =	smov.u32 @p0 s6;
	s8 =	simm.s32 $0x1  }
0xa: {  	s5 =	ssub.s32 s9, s31;
	s6 =	sadd.s32 s11, s10;
	s9 =	simm.s32 $0x2  }
0xb: {  	s10 =	simm.s32 $0x1B8A0;
	s11 =	simm.s32 $0x3;
	s5 =	smax.u32 s5, $0x1  }
.LBB2_1:
0xc: {  	[tilespmem:s7], [sflag:$0x2] =	stream.linear.gather [hbm4b:s4+s1], $0x3200, $0x38;
	[tilespmem:$0x1EAA0] =	vst v63  }
0xd: {  	_ = 	snop  }
0xe: {  	[tilespmem:s1], [sflag:$0x1] =	stream.linear.gather [hbm4b:s3+s1], $0x186A0, $0x38;
	[tilespmem:$0x1EAA0] =	vst v63  }
0xf: {  	_ =	swait.ge [sflag:s8], $0x186A0  }
0x10: {  	[sflag:s8] =	ssyncset.done $0x0  }
0x11: {  	[sflag:s8] =	ssyncadd.s32 $0xFFFE7960  }
0x12: {  	_ =	swait.ge [sflag:s9], $0x3200  }
0x13: {  	[sflag:s9] =	ssyncset.done $0x0  }
0x14: {  	s13 =	simm.s32 $0x0;
	[sflag:s9] =	ssyncadd.s32 $0xFFFFCE00  }
0x15: {  	v0 =	vld [tilespmem:s13+$0x186A0];
	_ =	sdelay $0x7  }
0x16: {  	s14 =	simm.s32 $0x10;
	s15 =	simm.s32 $0x80;
	v0 =	vld.idx.msk [tilespmem:v0+s1+$0x0], $0xffff  }
.LBB2_2:
0x17: {  	p0 =	sne.s32 s15, $0xC7C0;
	v1 =	vld [tilespmem:s14+$0x186A0];
	_ =	sdelay $0x3  }
.Ltmp0:
0x18: {  	(pc) =	sbr.rel @p0 .LBB2_2-.Ltmp0, $2  }
0x19: {  	[tilespmem:s13+$0x1B8A0] =	vst v0;
	s13 =	smov.u32 s14;
	_ =	sdelay $0x2  }
0x1a: {  	s14 =	sshra.s32 s15, $0x2;
	s15 =	sadd.s32 $0x40, s15;
	v0 =	vld.idx.msk [tilespmem:v1+s1+$0x0], $0xffff  }
0x1b: {  	v1 =	vld [tilespmem:s14+$0x186A0];
	_ =	sdelay $0x6  }
0x1c: {  	[tilespmem:s13+$0x1B8A0] =	vst v0  }
0x1d: {  	v0 =	vld.idx.msk [tilespmem:v1+s1+$0x0], $0xffff;
	_ =	sdelay $0x2  }
0x1e: {  	s12 =	sadd.s32 $0x1, s12  }
0x1f: {  	p0 =	sne.s32 s12, s5  }
.Ltmp1:
0x20: {  	[tilespmem:s14+$0x1B8A0] =	vst v0;
	(pc) =	sbr.rel @p0 .LBB2_1-.Ltmp1, $4  }
0x21: {  	[hbm4b:s6+s1] =	stream.linear.scatter [tilespmem:s10], [sflag:$0x3], $0x3200, $0x38;
	[tilespmem:$0x1EAA0] =	vst v63  }
0x22: {  	_ =	swait.ge [sflag:s11], $0x3200  }
0x23: {  	[sflag:s11] =	ssyncset.done $0x0  }
0x24: {  	[sflag:s11] =	ssyncadd.s32 $0xFFFFCE00  }
0x25: {  	_ =	sfence.sel $0x180000  }
0x26: {  	[bflag:$0x0] =	sbarrier.arrive $0xFFFF  }
0x27: {  	p0 =	sne.s32 s2, $0x0;
	_ =	strace $0x90000047  }
0x28: {  	s0 =	sadd.s32 @!p0 $0x100000, s0;
	[bflag:$0x2] =	sbarrier.arrive $0xFFFF  }
0x29: {  	[sflag:s0] =	ssyncadd.tile.s32 @!p0 $0x1;
	_ =	shalt  }
.Lfunc_end2:
_tile_overlayer_lowered:
.L_overlay_start_2:
0x2a: {  	(tag) =	ssettag $0x2  }
0x2b: {  	s0 =	rddreg [dreg:$0x0];
	s2 =	stileid.u32  }
0x2c: {  	s1 =	rddreg [dreg:$0x1];
	p0 =	sne.s32 s2, $0x0  }
0x2d: {  	s3 =	rddreg [dreg:$0x2];
	[bflag:$0x3] =	sbarrier.arrive $0xFFFF;
	s2 =	simm.s32 @!p0 $0x1C03  }
0x2e: {  	[timem:s3], [sflag:s2] =	dma.local @!p0 [hbm:s0], s1  }
0x2f: {  	s0 =	simm.s32 @!p0 $0x3  }
0x30: {  	_ =	swait.ge @!p0 [sflag:s0], s1  }
0x31: {  	s1 =	ssub.s32 @!p0 $0x0, s1;
	[sflag:s0] =	ssyncset.done @!p0 $0x0  }
0x32: {  	[sflag:s0] =	ssyncadd.s32 @!p0 s1  }
0x33: {  	[bflag:$0x3] =	sbarrier.arrive $0xFFFF  }
0x34: {  	_ =	shalt  }

</sc_bundles>
